<compile_context>
chip_gen: v7x
topology: tpu7x:2x2x1
jax: 0.10.2.dev20260603
libtpu: 0.0.44.dev20260713+nightly
codegen_flags: <defaults>
</compile_context>

<pallas_src>
import jax
import jax.numpy as jnp
from jax import lax
from jax.experimental import pallas as pl

_STEPS = 2
_GPB = 8


def _gnn_kernel(inputs_t_ref, support_ref,
                W_encT_ref, b_encT_ref,
                WzrT_ref, bzrT_ref,
                WhhT_ref, bhT_ref,
                WaeT_ref, baeT_ref,
                W_out_ref, b_out_ref,
                out_ref):
    f32 = jnp.float32
    H = WhhT_ref.shape[0]
    N = support_ref.shape[1]
    xT = jnp.tanh(
        jnp.dot(W_encT_ref[...], inputs_t_ref[...],
                preferred_element_type=f32)
        + b_encT_ref[...])
    for _ in range(_STEPS):
        aT = jnp.concatenate(
            [lax.dot_general(xT[:, g * N:(g + 1) * N], support_ref[g],
                             (((1,), (1,)), ((), ())),
                             preferred_element_type=f32)
             for g in range(_GPB)], axis=1)
        zrT = jax.nn.sigmoid(
            jnp.dot(WzrT_ref[...], jnp.concatenate([aT, xT], axis=0),
                    preferred_element_type=f32)
            + bzrT_ref[...])
        zT = zrT[:H]
        rT = zrT[H:]
        hT = jnp.tanh(
            jnp.dot(WhhT_ref[...],
                    jnp.concatenate([aT, rT * xT], axis=0),
                    preferred_element_type=f32)
            + bhT_ref[...])
        xT = xT + zT * (hT - xT)
    aeT = (jnp.dot(WaeT_ref[...], xT, preferred_element_type=f32)
           + baeT_ref[...])
    gT = jax.nn.sigmoid(aeT[:H]) * jnp.tanh(aeT[H:])
    for g in range(_GPB):
        gT_g = gT[:, g * N:(g + 1) * N]
        pooledT = (jnp.sum(gT_g, axis=1, keepdims=True) * (1.0 / N)
                   + jnp.max(gT_g, axis=1, keepdims=True))
        out_ref[g] = (lax.dot_general(pooledT, W_out_ref[...],
                                      (((0,), (0,)), ((), ())),
                                      preferred_element_type=f32)
                      + b_out_ref[...])


def _full(shape):
    return pl.BlockSpec(shape, lambda b: (0,) * len(shape))


@jax.jit
def kernel(inputs, support, mask, W_enc, b_enc, Wz0, Wz1, bz, Wr0, Wr1, br,
           Wh0, Wh1, bh, W_att, b_att, W_emb, b_emb, W_out, b_out):
    B, N, DIN = inputs.shape
    H = W_enc.shape[1]
    OUT = W_out.shape[1]
    inputs_t = jnp.transpose(inputs, (2, 0, 1)).reshape(DIN, B * N)
    W_encT = W_enc.T
    b_encT = b_enc.reshape(H, 1)
    WzrT = jnp.concatenate(
        [jnp.concatenate([Wz0.T, Wz1.T], axis=1),
         jnp.concatenate([Wr0.T, Wr1.T], axis=1)], axis=0)
    bzrT = jnp.concatenate([bz, br]).reshape(2 * H, 1)
    WhhT = jnp.concatenate([Wh0.T, Wh1.T], axis=1)
    bhT = bh.reshape(H, 1)
    WaeT = jnp.concatenate([W_att.T, W_emb.T], axis=0)
    baeT = jnp.concatenate([b_att, b_emb]).reshape(2 * H, 1)
    b_out2 = b_out.reshape(1, OUT)

    grid = (B // _GPB,)
    in_specs = [
        pl.BlockSpec((DIN, _GPB * N), lambda b: (0, b)),
        pl.BlockSpec((_GPB, N, N), lambda b: (b, 0, 0)),
        _full((H, DIN)), _full((H, 1)),
        _full((2 * H, 2 * H)), _full((2 * H, 1)),
        _full((H, 2 * H)), _full((H, 1)),
        _full((2 * H, H)), _full((2 * H, 1)),
        _full((H, OUT)), _full((1, OUT)),
    ]
    out_spec = pl.BlockSpec((_GPB, 1, OUT), lambda b: (b, 0, 0))

    out = pl.pallas_call(
        _gnn_kernel,
        grid=grid,
        in_specs=in_specs,
        out_specs=out_spec,
        out_shape=jax.ShapeDtypeStruct((B, 1, OUT), jnp.float32),
    )(inputs_t, support, W_encT, b_encT, WzrT, bzrT, WhhT, bhT, WaeT, baeT,
      W_out, b_out2)
    return out.reshape(B, OUT)

# --- scband reference (transcript-rebuilt; emitter-appended) ---
"""Pipeline reference for scband-gnn-39187281608876 (READ-ONLY COPY).

The authoritative reference and input builder live on the scoring server;
editing this copy changes nothing except your own understanding.
"""

import jax, jax.numpy as jnp
import numpy as np

B, N, DIN, H, OUT = 64, 512, 300, 64, 8
STEPS = 2


def _glorot(k, shape):
    lim = float(np.sqrt(6.0 / (shape[0] + shape[1])))
    return jax.random.uniform(k, shape, jnp.float32, -lim, lim)


def setup_inputs(seed: int = 0) -> dict:
    key = jax.random.key(seed)
    ks = jax.random.split(key, 16)
    inp = {}
    inp["inputs"] = jax.random.normal(ks[0], (B, N, DIN), dtype=jnp.float32)
    inp["support"] = jax.random.uniform(ks[1], (B, N, N), dtype=jnp.float32)
    inp["mask"] = jnp.ones((B, N, 1), dtype=jnp.float32)
    inp["W_enc"] = _glorot(ks[2], (DIN, H)); inp["b_enc"] = jnp.zeros((H,), jnp.float32)
    inp["Wz0"] = _glorot(ks[3], (H, H)); inp["Wz1"] = _glorot(ks[4], (H, H)); inp["bz"] = jnp.zeros((H,), jnp.float32)
    inp["Wr0"] = _glorot(ks[5], (H, H)); inp["Wr1"] = _glorot(ks[6], (H, H)); inp["br"] = jnp.zeros((H,), jnp.float32)
    inp["Wh0"] = _glorot(ks[7], (H, H)); inp["Wh1"] = _glorot(ks[8], (H, H)); inp["bh"] = jnp.zeros((H,), jnp.float32)
    inp["W_att"] = _glorot(ks[9], (H, H)); inp["b_att"] = jnp.zeros((H,), jnp.float32)
    inp["W_emb"] = _glorot(ks[10], (H, H)); inp["b_emb"] = jnp.zeros((H,), jnp.float32)
    inp["W_out"] = _glorot(ks[11], (H, OUT)); inp["b_out"] = jnp.zeros((OUT,), jnp.float32)
    return inp


def reference(inputs, support, mask, W_enc, b_enc, Wz0, Wz1, bz, Wr0, Wr1, br, Wh0, Wh1, bh, W_att, b_att, W_emb, b_emb, W_out, b_out):
    # Graph_layer: encode then gated (GGNN-style) propagation for STEPS steps, act=tanh
    x = jnp.tanh(jnp.einsum('bnd,dh->bnh', inputs, W_enc) + b_enc)
    x = x * mask
    for _ in range(STEPS):
        a = jnp.einsum('bnm,bmh->bnh', support, x)
        z = jax.nn.sigmoid(a @ Wz0 + x @ Wz1 + bz)
        r = jax.nn.sigmoid(a @ Wr0 + x @ Wr1 + br)
        h = jnp.tanh(a @ Wh0 + (r * x) @ Wh1 + bh)
        x = (1.0 - z) * x + z * h
        x = x * mask
    # Readout_layer: soft attention readout (sum-mean + max pooling), act=tanh
    att = jax.nn.sigmoid(x @ W_att + b_att)
    emb = jnp.tanh(x @ W_emb + b_emb)
    g = mask * att * emb
    n_nodes = jnp.sum(mask, axis=1)
    pooled = jnp.sum(g, axis=1) / n_nodes + jnp.max(g + (mask - 1.0) * 1e9, axis=1)
    outputs = pooled @ W_out + b_out
    return outputs

if __name__ == "__main__":
    import jax
    _d = setup_inputs()
    print(jax.jit(kernel)(*tuple(_d.values())))

</pallas_src>

<mosaic_0001>
module attributes {stable_mosaic.version = 14 : i64} {
  func.func @_gnn_kernel(%arg0: i32, %arg1: memref<300x4096xf32, #tpu.memory_space<vmem>>, %arg2: memref<8x512x512xf32, #tpu.memory_space<vmem>>, %arg3: memref<64x300xf32, #tpu.memory_space<vmem>>, %arg4: memref<64x1xf32, #tpu.memory_space<vmem>>, %arg5: memref<128x128xf32, #tpu.memory_space<vmem>>, %arg6: memref<128x1xf32, #tpu.memory_space<vmem>>, %arg7: memref<64x128xf32, #tpu.memory_space<vmem>>, %arg8: memref<64x1xf32, #tpu.memory_space<vmem>>, %arg9: memref<128x64xf32, #tpu.memory_space<vmem>>, %arg10: memref<128x1xf32, #tpu.memory_space<vmem>>, %arg11: memref<64x8xf32, #tpu.memory_space<vmem>>, %arg12: memref<1x8xf32, #tpu.memory_space<vmem>>, %arg13: memref<8x1x8xf32, #tpu.memory_space<vmem>>) attributes {dimension_semantics = [#tpu.dimension_semantics<arbitrary>], iteration_bounds = array<i64: 8>, scalar_prefetch = 0 : i64, scratch_operands = 0 : i64, tpu.core_type = #tpu.core_type<tc>, window_params = [{transform_indices = @transform_0, window_bounds = array<i64: 300, 4096>}, {transform_indices = @transform_1, window_bounds = array<i64: 8, 512, 512>}, {pipeline_mode = #tpu.pipeline_mode<synchronous>, transform_indices = @transform_2, window_bounds = array<i64: 64, 300>}, {pipeline_mode = #tpu.pipeline_mode<synchronous>, transform_indices = @transform_3, window_bounds = array<i64: 64, 1>}, {pipeline_mode = #tpu.pipeline_mode<synchronous>, transform_indices = @transform_4, window_bounds = array<i64: 128, 128>}, {pipeline_mode = #tpu.pipeline_mode<synchronous>, transform_indices = @transform_5, window_bounds = array<i64: 128, 1>}, {pipeline_mode = #tpu.pipeline_mode<synchronous>, transform_indices = @transform_6, window_bounds = array<i64: 64, 128>}, {pipeline_mode = #tpu.pipeline_mode<synchronous>, transform_indices = @transform_7, window_bounds = array<i64: 64, 1>}, {pipeline_mode = #tpu.pipeline_mode<synchronous>, transform_indices = @transform_8, window_bounds = array<i64: 128, 64>}, {pipeline_mode = #tpu.pipeline_mode<synchronous>, transform_indices = @transform_9, window_bounds = array<i64: 128, 1>}, {pipeline_mode = #tpu.pipeline_mode<synchronous>, transform_indices = @transform_10, window_bounds = array<i64: 64, 8>}, {pipeline_mode = #tpu.pipeline_mode<synchronous>, transform_indices = @transform_11, window_bounds = array<i64: 1, 8>}, {transform_indices = @transform_12, window_bounds = array<i64: 8, 1, 8>}]} {
    %get3A = arith.constant 0 : index
    %get3A_0 = arith.constant 0 : index
    %get3A_1 = vector.load %arg3[%get3A, %get3A_0] : memref<64x300xf32, #tpu.memory_space<vmem>>, vector<64x300xf32>
    %get3A_2 = arith.constant 0 : index
    %get3A_3 = arith.constant 0 : index
    %get3A_4 = vector.load %arg1[%get3A_2, %get3A_3] : memref<300x4096xf32, #tpu.memory_space<vmem>>, vector<300x4096xf32>
    %dot_general3A = arith.constant dense<0.000000e+00> : vector<64x4096xf32>
    %dot_general3A_5 = tpu.matmul %get3A_1, %get3A_4, %dot_general3A {dimension_numbers = #tpu.dot_dimension_numbers<[1], [0], [0], [1], [0, 0, 1, 1], [], []>, transpose_lhs_hint = false} : vector<64x300xf32>, vector<300x4096xf32>, vector<64x4096xf32> -> vector<64x4096xf32>
    %get3A_6 = arith.constant 0 : index
    %get3A_7 = arith.constant 0 : index
    %get3A_8 = vector.load %arg4[%get3A_6, %get3A_7] : memref<64x1xf32, #tpu.memory_space<vmem>>, vector<64x1xf32>
    %add3A = vector.broadcast %get3A_8 : vector<64x1xf32> to vector<64x4096xf32>
    %add3A_9 = arith.addf %dot_general3A_5, %add3A : vector<64x4096xf32>
    %tanh3A = math.tanh %add3A_9 : vector<64x4096xf32>
    %slice3A = vector.extract_strided_slice %tanh3A {offsets = [0, 0], sizes = [64, 512], strides = [1, 1]} : vector<64x4096xf32> to vector<64x512xf32>
    %get3A_10 = arith.constant 0 : index
    %get3A_11 = arith.constant 0 : index
    %get3A_12 = arith.constant 0 : index
    %get3A_13 = vector.load %arg2[%get3A_10, %get3A_11, %get3A_12] : memref<8x512x512xf32, #tpu.memory_space<vmem>>, vector<1x512x512xf32>
    %get3A_14 = vector.shape_cast %get3A_13 : vector<1x512x512xf32> to vector<512x512xf32>
    %dot_general3A_15 = arith.constant dense<0.000000e+00> : vector<64x512xf32>
    %dot_general3A_16 = tpu.matmul %slice3A, %get3A_14, %dot_general3A_15 {dimension_numbers = #tpu.dot_dimension_numbers<[1], [1], [0], [0], [0, 0, 1, 0], [], []>, transpose_lhs_hint = false} : vector<64x512xf32>, vector<512x512xf32>, vector<64x512xf32> -> vector<64x512xf32>
    %slice3A_17 = vector.extract_strided_slice %tanh3A {offsets = [0, 512], sizes = [64, 512], strides = [1, 1]} : vector<64x4096xf32> to vector<64x512xf32>
    %get3A_18 = arith.constant 1 : index
    %get3A_19 = arith.constant 0 : index
    %get3A_20 = arith.constant 0 : index
    %get3A_21 = vector.load %arg2[%get3A_18, %get3A_19, %get3A_20] : memref<8x512x512xf32, #tpu.memory_space<vmem>>, vector<1x512x512xf32>
    %get3A_22 = vector.shape_cast %get3A_21 : vector<1x512x512xf32> to vector<512x512xf32>
    %dot_general3A_23 = arith.constant dense<0.000000e+00> : vector<64x512xf32>
    %dot_general3A_24 = tpu.matmul %slice3A_17, %get3A_22, %dot_general3A_23 {dimension_numbers = #tpu.dot_dimension_numbers<[1], [1], [0], [0], [0, 0, 1, 0], [], []>, transpose_lhs_hint = false} : vector<64x512xf32>, vector<512x512xf32>, vector<64x512xf32> -> vector<64x512xf32>
    %slice3A_25 = vector.extract_strided_slice %tanh3A {offsets = [0, 1024], sizes = [64, 512], strides = [1, 1]} : vector<64x4096xf32> to vector<64x512xf32>
    %get3A_26 = arith.constant 2 : index
    %get3A_27 = arith.constant 0 : index
    %get3A_28 = arith.constant 0 : index
    %get3A_29 = vector.load %arg2[%get3A_26, %get3A_27, %get3A_28] : memref<8x512x512xf32, #tpu.memory_space<vmem>>, vector<1x512x512xf32>
    %get3A_30 = vector.shape_cast %get3A_29 : vector<1x512x512xf32> to vector<512x512xf32>
    %dot_general3A_31 = arith.constant dense<0.000000e+00> : vector<64x512xf32>
    %dot_general3A_32 = tpu.matmul %slice3A_25, %get3A_30, %dot_general3A_31 {dimension_numbers = #tpu.dot_dimension_numbers<[1], [1], [0], [0], [0, 0, 1, 0], [], []>, transpose_lhs_hint = false} : vector<64x512xf32>, vector<512x512xf32>, vector<64x512xf32> -> vector<64x512xf32>
    %slice3A_33 = vector.extract_strided_slice %tanh3A {offsets = [0, 1536], sizes = [64, 512], strides = [1, 1]} : vector<64x4096xf32> to vector<64x512xf32>
    %get3A_34 = arith.constant 3 : index
    %get3A_35 = arith.constant 0 : index
    %get3A_36 = arith.constant 0 : index
    %get3A_37 = vector.load %arg2[%get3A_34, %get3A_35, %get3A_36] : memref<8x512x512xf32, #tpu.memory_space<vmem>>, vector<1x512x512xf32>
    %get3A_38 = vector.shape_cast %get3A_37 : vector<1x512x512xf32> to vector<512x512xf32>
    %dot_general3A_39 = arith.constant dense<0.000000e+00> : vector<64x512xf32>
    %dot_general3A_40 = tpu.matmul %slice3A_33, %get3A_38, %dot_general3A_39 {dimension_numbers = #tpu.dot_dimension_numbers<[1], [1], [0], [0], [0, 0, 1, 0], [], []>, transpose_lhs_hint = false} : vector<64x512xf32>, vector<512x512xf32>, vector<64x512xf32> -> vector<64x512xf32>
    %slice3A_41 = vector.extract_strided_slice %tanh3A {offsets = [0, 2048], sizes = [64, 512], strides = [1, 1]} : vector<64x4096xf32> to vector<64x512xf32>
    %get3A_42 = arith.constant 4 : index
    %get3A_43 = arith.constant 0 : index
    %get3A_44 = arith.constant 0 : index
    %get3A_45 = vector.load %arg2[%get3A_42, %get3A_43, %get3A_44] : memref<8x512x512xf32, #tpu.memory_space<vmem>>, vector<1x512x512xf32>
    %get3A_46 = vector.shape_cast %get3A_45 : vector<1x512x512xf32> to vector<512x512xf32>
    %dot_general3A_47 = arith.constant dense<0.000000e+00> : vector<64x512xf32>
    %dot_general3A_48 = tpu.matmul %slice3A_41, %get3A_46, %dot_general3A_47 {dimension_numbers = #tpu.dot_dimension_numbers<[1], [1], [0], [0], [0, 0, 1, 0], [], []>, transpose_lhs_hint = false} : vector<64x512xf32>, vector<512x512xf32>, vector<64x512xf32> -> vector<64x512xf32>
    %slice3A_49 = vector.extract_strided_slice %tanh3A {offsets = [0, 2560], sizes = [64, 512], strides = [1, 1]} : vector<64x4096xf32> to vector<64x512xf32>
    %get3A_50 = arith.constant 5 : index
    %get3A_51 = arith.constant 0 : index
    %get3A_52 = arith.constant 0 : index
    %get3A_53 = vector.load %arg2[%get3A_50, %get3A_51, %get3A_52] : memref<8x512x512xf32, #tpu.memory_space<vmem>>, vector<1x512x512xf32>
    %get3A_54 = vector.shape_cast %get3A_53 : vector<1x512x512xf32> to vector<512x512xf32>
    %dot_general3A_55 = arith.constant dense<0.000000e+00> : vector<64x512xf32>
    %dot_general3A_56 = tpu.matmul %slice3A_49, %get3A_54, %dot_general3A_55 {dimension_numbers = #tpu.dot_dimension_numbers<[1], [1], [0], [0], [0, 0, 1, 0], [], []>, transpose_lhs_hint = false} : vector<64x512xf32>, vector<512x512xf32>, vector<64x512xf32> -> vector<64x512xf32>
    %slice3A_57 = vector.extract_strided_slice %tanh3A {offsets = [0, 3072], sizes = [64, 512], strides = [1, 1]} : vector<64x4096xf32> to vector<64x512xf32>
    %get3A_58 = arith.constant 6 : index
    %get3A_59 = arith.constant 0 : index
    %get3A_60 = arith.constant 0 : index
    %get3A_61 = vector.load %arg2[%get3A_58, %get3A_59, %get3A_60] : memref<8x512x512xf32, #tpu.memory_space<vmem>>, vector<1x512x512xf32>
    %get3A_62 = vector.shape_cast %get3A_61 : vector<1x512x512xf32> to vector<512x512xf32>
    %dot_general3A_63 = arith.constant dense<0.000000e+00> : vector<64x512xf32>
    %dot_general3A_64 = tpu.matmul %slice3A_57, %get3A_62, %dot_general3A_63 {dimension_numbers = #tpu.dot_dimension_numbers<[1], [1], [0], [0], [0, 0, 1, 0], [], []>, transpose_lhs_hint = false} : vector<64x512xf32>, vector<512x512xf32>, vector<64x512xf32> -> vector<64x512xf32>
    %slice3A_65 = vector.extract_strided_slice %tanh3A {offsets = [0, 3584], sizes = [64, 512], strides = [1, 1]} : vector<64x4096xf32> to vector<64x512xf32>
    %get3A_66 = arith.constant 7 : index
    %get3A_67 = arith.constant 0 : index
    %get3A_68 = arith.constant 0 : index
    %get3A_69 = vector.load %arg2[%get3A_66, %get3A_67, %get3A_68] : memref<8x512x512xf32, #tpu.memory_space<vmem>>, vector<1x512x512xf32>
    %get3A_70 = vector.shape_cast %get3A_69 : vector<1x512x512xf32> to vector<512x512xf32>
    %dot_general3A_71 = arith.constant dense<0.000000e+00> : vector<64x512xf32>
    %dot_general3A_72 = tpu.matmul %slice3A_65, %get3A_70, %dot_general3A_71 {dimension_numbers = #tpu.dot_dimension_numbers<[1], [1], [0], [0], [0, 0, 1, 0], [], []>, transpose_lhs_hint = false} : vector<64x512xf32>, vector<512x512xf32>, vector<64x512xf32> -> vector<64x512xf32>
    %concatenate3A = tpu.concatenate %dot_general3A_16, %dot_general3A_24, %dot_general3A_32, %dot_general3A_40, %dot_general3A_48, %dot_general3A_56, %dot_general3A_64, %dot_general3A_72 in 1 : vector<64x512xf32>, vector<64x512xf32>, vector<64x512xf32>, vector<64x512xf32>, vector<64x512xf32>, vector<64x512xf32>, vector<64x512xf32>, vector<64x512xf32> -> vector<64x4096xf32>
    %get3A_73 = arith.constant 0 : index
    %get3A_74 = arith.constant 0 : index
    %get3A_75 = vector.load %arg5[%get3A_73, %get3A_74] : memref<128x128xf32, #tpu.memory_space<vmem>>, vector<128x128xf32>
    %concatenate3A_76 = tpu.concatenate %concatenate3A, %tanh3A in 0 : vector<64x4096xf32>, vector<64x4096xf32> -> vector<128x4096xf32>
    %dot_general3A_77 = arith.constant dense<0.000000e+00> : vector<128x4096xf32>
    %dot_general3A_78 = tpu.matmul %get3A_75, %concatenate3A_76, %dot_general3A_77 {dimension_numbers = #tpu.dot_dimension_numbers<[1], [0], [0], [1], [0, 0, 1, 1], [], []>, transpose_lhs_hint = false} : vector<128x128xf32>, vector<128x4096xf32>, vector<128x4096xf32> -> vector<128x4096xf32>
    %get3A_79 = arith.constant 0 : index
    %get3A_80 = arith.constant 0 : index
    %get3A_81 = vector.load %arg6[%get3A_79, %get3A_80] : memref<128x1xf32, #tpu.memory_space<vmem>>, vector<128x1xf32>
    %add3A_82 = vector.broadcast %get3A_81 : vector<128x1xf32> to vector<128x4096xf32>
    %add3A_83 = arith.addf %dot_general3A_78, %add3A_82 : vector<128x4096xf32>
    %logistic3A = arith.negf %add3A_83 : vector<128x4096xf32>
    %logistic3A_84 = math.exp %logistic3A : vector<128x4096xf32>
    %logistic3A_85 = arith.constant 1.000000e+00 : f32
    %logistic3A_86 = vector.broadcast %logistic3A_85 : f32 to vector<128x4096xf32>
    %logistic3A_87 = arith.addf %logistic3A_86, %logistic3A_84 : vector<128x4096xf32>
    %logistic3A_88 = arith.divf %logistic3A_86, %logistic3A_87 : vector<128x4096xf32>
    %slice3A_89 = vector.extract_strided_slice %logistic3A_88 {offsets = [0, 0], sizes = [64, 4096], strides = [1, 1]} : vector<128x4096xf32> to vector<64x4096xf32>
    %slice3A_90 = vector.extract_strided_slice %logistic3A_88 {offsets = [64, 0], sizes = [64, 4096], strides = [1, 1]} : vector<128x4096xf32> to vector<64x4096xf32>
    %get3A_91 = arith.constant 0 : index
    %get3A_92 = arith.constant 0 : index
    %get3A_93 = vector.load %arg7[%get3A_91, %get3A_92] : memref<64x128xf32, #tpu.memory_space<vmem>>, vector<64x128xf32>
    %mul3A = arith.mulf %slice3A_90, %tanh3A : vector<64x4096xf32>
    %concatenate3A_94 = tpu.concatenate %concatenate3A, %mul3A in 0 : vector<64x4096xf32>, vector<64x4096xf32> -> vector<128x4096xf32>
    %dot_general3A_95 = arith.constant dense<0.000000e+00> : vector<64x4096xf32>
    %dot_general3A_96 = tpu.matmul %get3A_93, %concatenate3A_94, %dot_general3A_95 {dimension_numbers = #tpu.dot_dimension_numbers<[1], [0], [0], [1], [0, 0, 1, 1], [], []>, transpose_lhs_hint = false} : vector<64x128xf32>, vector<128x4096xf32>, vector<64x4096xf32> -> vector<64x4096xf32>
    %get3A_97 = arith.constant 0 : index
    %get3A_98 = arith.constant 0 : index
    %get3A_99 = vector.load %arg8[%get3A_97, %get3A_98] : memref<64x1xf32, #tpu.memory_space<vmem>>, vector<64x1xf32>
    %add3A_100 = vector.broadcast %get3A_99 : vector<64x1xf32> to vector<64x4096xf32>
    %add3A_101 = arith.addf %dot_general3A_96, %add3A_100 : vector<64x4096xf32>
    %tanh3A_102 = math.tanh %add3A_101 : vector<64x4096xf32>
    %sub3A = arith.subf %tanh3A_102, %tanh3A : vector<64x4096xf32>
    %mul3A_103 = arith.mulf %slice3A_89, %sub3A : vector<64x4096xf32>
    %add3A_104 = arith.addf %tanh3A, %mul3A_103 : vector<64x4096xf32>
    %slice3A_105 = vector.extract_strided_slice %add3A_104 {offsets = [0, 0], sizes = [64, 512], strides = [1, 1]} : vector<64x4096xf32> to vector<64x512xf32>
    %get3A_106 = arith.constant 0 : index
    %get3A_107 = arith.constant 0 : index
    %get3A_108 = arith.constant 0 : index
    %get3A_109 = vector.load %arg2[%get3A_106, %get3A_107, %get3A_108] : memref<8x512x512xf32, #tpu.memory_space<vmem>>, vector<1x512x512xf32>
    %get3A_110 = vector.shape_cast %get3A_109 : vector<1x512x512xf32> to vector<512x512xf32>
    %dot_general3A_111 = arith.constant dense<0.000000e+00> : vector<64x512xf32>
    %dot_general3A_112 = tpu.matmul %slice3A_105, %get3A_110, %dot_general3A_111 {dimension_numbers = #tpu.dot_dimension_numbers<[1], [1], [0], [0], [0, 0, 1, 0], [], []>, transpose_lhs_hint = false} : vector<64x512xf32>, vector<512x512xf32>, vector<64x512xf32> -> vector<64x512xf32>
    %slice3A_113 = vector.extract_strided_slice %add3A_104 {offsets = [0, 512], sizes = [64, 512], strides = [1, 1]} : vector<64x4096xf32> to vector<64x512xf32>
    %get3A_114 = arith.constant 1 : index
    %get3A_115 = arith.constant 0 : index
    %get3A_116 = arith.constant 0 : index
    %get3A_117 = vector.load %arg2[%get3A_114, %get3A_115, %get3A_116] : memref<8x512x512xf32, #tpu.memory_space<vmem>>, vector<1x512x512xf32>
    %get3A_118 = vector.shape_cast %get3A_117 : vector<1x512x512xf32> to vector<512x512xf32>
    %dot_general3A_119 = arith.constant dense<0.000000e+00> : vector<64x512xf32>
    %dot_general3A_120 = tpu.matmul %slice3A_113, %get3A_118, %dot_general3A_119 {dimension_numbers = #tpu.dot_dimension_numbers<[1], [1], [0], [0], [0, 0, 1, 0], [], []>, transpose_lhs_hint = false} : vector<64x512xf32>, vector<512x512xf32>, vector<64x512xf32> -> vector<64x512xf32>
    %slice3A_121 = vector.extract_strided_slice %add3A_104 {offsets = [0, 1024], sizes = [64, 512], strides = [1, 1]} : vector<64x4096xf32> to vector<64x512xf32>
    %get3A_122 = arith.constant 2 : index
    %get3A_123 = arith.constant 0 : index
    %get3A_124 = arith.constant 0 : index
    %get3A_125 = vector.load %arg2[%get3A_122, %get3A_123, %get3A_124] : memref<8x512x512xf32, #tpu.memory_space<vmem>>, vector<1x512x512xf32>
    %get3A_126 = vector.shape_cast %get3A_125 : vector<1x512x512xf32> to vector<512x512xf32>
    %dot_general3A_127 = arith.constant dense<0.000000e+00> : vector<64x512xf32>
    %dot_general3A_128 = tpu.matmul %slice3A_121, %get3A_126, %dot_general3A_127 {dimension_numbers = #tpu.dot_dimension_numbers<[1], [1], [0], [0], [0, 0, 1, 0], [], []>, transpose_lhs_hint = false} : vector<64x512xf32>, vector<512x512xf32>, vector<64x512xf32> -> vector<64x512xf32>
    %slice3A_129 = vector.extract_strided_slice %add3A_104 {offsets = [0, 1536], sizes = [64, 512], strides = [1, 1]} : vector<64x4096xf32> to vector<64x512xf32>
    %get3A_130 = arith.constant 3 : index
    %get3A_131 = arith.constant 0 : index
    %get3A_132 = arith.constant 0 : index
    %get3A_133 = vector.load %arg2[%get3A_130, %get3A_131, %get3A_132] : memref<8x512x512xf32, #tpu.memory_space<vmem>>, vector<1x512x512xf32>
    %get3A_134 = vector.shape_cast %get3A_133 : vector<1x512x512xf32> to vector<512x512xf32>
    %dot_general3A_135 = arith.constant dense<0.000000e+00> : vector<64x512xf32>
    %dot_general3A_136 = tpu.matmul %slice3A_129, %get3A_134, %dot_general3A_135 {dimension_numbers = #tpu.dot_dimension_numbers<[1], [1], [0], [0], [0, 0, 1, 0], [], []>, transpose_lhs_hint = false} : vector<64x512xf32>, vector<512x512xf32>, vector<64x512xf32> -> vector<64x512xf32>
    %slice3A_137 = vector.extract_strided_slice %add3A_104 {offsets = [0, 2048], sizes = [64, 512], strides = [1, 1]} : vector<64x4096xf32> to vector<64x512xf32>
    %get3A_138 = arith.constant 4 : index
    %get3A_139 = arith.constant 0 : index
    %get3A_140 = arith.constant 0 : index
    %get3A_141 = vector.load %arg2[%get3A_138, %get3A_139, %get3A_140] : memref<8x512x512xf32, #tpu.memory_space<vmem>>, vector<1x512x512xf32>
    %get3A_142 = vector.shape_cast %get3A_141 : vector<1x512x512xf32> to vector<512x512xf32>
    %dot_general3A_143 = arith.constant dense<0.000000e+00> : vector<64x512xf32>
    %dot_general3A_144 = tpu.matmul %slice3A_137, %get3A_142, %dot_general3A_143 {dimension_numbers = #tpu.dot_dimension_numbers<[1], [1], [0], [0], [0, 0, 1, 0], [], []>, transpose_lhs_hint = false} : vector<64x512xf32>, vector<512x512xf32>, vector<64x512xf32> -> vector<64x512xf32>
    %slice3A_145 = vector.extract_strided_slice %add3A_104 {offsets = [0, 2560], sizes = [64, 512], strides = [1, 1]} : vector<64x4096xf32> to vector<64x512xf32>
    %get3A_146 = arith.constant 5 : index
    %get3A_147 = arith.constant 0 : index
    %get3A_148 = arith.constant 0 : index
    %get3A_149 = vector.load %arg2[%get3A_146, %get3A_147, %get3A_148] : memref<8x512x512xf32, #tpu.memory_space<vmem>>, vector<1x512x512xf32>
    %get3A_150 = vector.shape_cast %get3A_149 : vector<1x512x512xf32> to vector<512x512xf32>
    %dot_general3A_151 = arith.constant dense<0.000000e+00> : vector<64x512xf32>
    %dot_general3A_152 = tpu.matmul %slice3A_145, %get3A_150, %dot_general3A_151 {dimension_numbers = #tpu.dot_dimension_numbers<[1], [1], [0], [0], [0, 0, 1, 0], [], []>, transpose_lhs_hint = false} : vector<64x512xf32>, vector<512x512xf32>, vector<64x512xf32> -> vector<64x512xf32>
    %slice3A_153 = vector.extract_strided_slice %add3A_104 {offsets = [0, 3072], sizes = [64, 512], strides = [1, 1]} : vector<64x4096xf32> to vector<64x512xf32>
    %get3A_154 = arith.constant 6 : index
    %get3A_155 = arith.constant 0 : index
    %get3A_156 = arith.constant 0 : index
    %get3A_157 = vector.load %arg2[%get3A_154, %get3A_155, %get3A_156] : memref<8x512x512xf32, #tpu.memory_space<vmem>>, vector<1x512x512xf32>
    %get3A_158 = vector.shape_cast %get3A_157 : vector<1x512x512xf32> to vector<512x512xf32>
    %dot_general3A_159 = arith.constant dense<0.000000e+00> : vector<64x512xf32>
    %dot_general3A_160 = tpu.matmul %slice3A_153, %get3A_158, %dot_general3A_159 {dimension_numbers = #tpu.dot_dimension_numbers<[1], [1], [0], [0], [0, 0, 1, 0], [], []>, transpose_lhs_hint = false} : vector<64x512xf32>, vector<512x512xf32>, vector<64x512xf32> -> vector<64x512xf32>
    %slice3A_161 = vector.extract_strided_slice %add3A_104 {offsets = [0, 3584], sizes = [64, 512], strides = [1, 1]} : vector<64x4096xf32> to vector<64x512xf32>
    %get3A_162 = arith.constant 7 : index
    %get3A_163 = arith.constant 0 : index
    %get3A_164 = arith.constant 0 : index
    %get3A_165 = vector.load %arg2[%get3A_162, %get3A_163, %get3A_164] : memref<8x512x512xf32, #tpu.memory_space<vmem>>, vector<1x512x512xf32>
    %get3A_166 = vector.shape_cast %get3A_165 : vector<1x512x512xf32> to vector<512x512xf32>
    %dot_general3A_167 = arith.constant dense<0.000000e+00> : vector<64x512xf32>
    %dot_general3A_168 = tpu.matmul %slice3A_161, %get3A_166, %dot_general3A_167 {dimension_numbers = #tpu.dot_dimension_numbers<[1], [1], [0], [0], [0, 0, 1, 0], [], []>, transpose_lhs_hint = false} : vector<64x512xf32>, vector<512x512xf32>, vector<64x512xf32> -> vector<64x512xf32>
    %concatenate3A_169 = tpu.concatenate %dot_general3A_112, %dot_general3A_120, %dot_general3A_128, %dot_general3A_136, %dot_general3A_144, %dot_general3A_152, %dot_general3A_160, %dot_general3A_168 in 1 : vector<64x512xf32>, vector<64x512xf32>, vector<64x512xf32>, vector<64x512xf32>, vector<64x512xf32>, vector<64x512xf32>, vector<64x512xf32>, vector<64x512xf32> -> vector<64x4096xf32>
    %get3A_170 = arith.constant 0 : index
    %get3A_171 = arith.constant 0 : index
    %get3A_172 = vector.load %arg5[%get3A_170, %get3A_171] : memref<128x128xf32, #tpu.memory_space<vmem>>, vector<128x128xf32>
    %concatenate3A_173 = tpu.concatenate %concatenate3A_169, %add3A_104 in 0 : vector<64x4096xf32>, vector<64x4096xf32> -> vector<128x4096xf32>
    %dot_general3A_174 = arith.constant dense<0.000000e+00> : vector<128x4096xf32>
    %dot_general3A_175 = tpu.matmul %get3A_172, %concatenate3A_173, %dot_general3A_174 {dimension_numbers = #tpu.dot_dimension_numbers<[1], [0], [0], [1], [0, 0, 1, 1], [], []>, transpose_lhs_hint = false} : vector<128x128xf32>, vector<128x4096xf32>, vector<128x4096xf32> -> vector<128x4096xf32>
    %get3A_176 = arith.constant 0 : index
    %get3A_177 = arith.constant 0 : index
    %get3A_178 = vector.load %arg6[%get3A_176, %get3A_177] : memref<128x1xf32, #tpu.memory_space<vmem>>, vector<128x1xf32>
    %add3A_179 = vector.broadcast %get3A_178 : vector<128x1xf32> to vector<128x4096xf32>
    %add3A_180 = arith.addf %dot_general3A_175, %add3A_179 : vector<128x4096xf32>
    %logistic3A_181 = arith.negf %add3A_180 : vector<128x4096xf32>
    %logistic3A_182 = math.exp %logistic3A_181 : vector<128x4096xf32>
    %logistic3A_183 = arith.constant 1.000000e+00 : f32
    %logistic3A_184 = vector.broadcast %logistic3A_183 : f32 to vector<128x4096xf32>
    %logistic3A_185 = arith.addf %logistic3A_184, %logistic3A_182 : vector<128x4096xf32>
    %logistic3A_186 = arith.divf %logistic3A_184, %logistic3A_185 : vector<128x4096xf32>
    %slice3A_187 = vector.extract_strided_slice %logistic3A_186 {offsets = [0, 0], sizes = [64, 4096], strides = [1, 1]} : vector<128x4096xf32> to vector<64x4096xf32>
    %slice3A_188 = vector.extract_strided_slice %logistic3A_186 {offsets = [64, 0], sizes = [64, 4096], strides = [1, 1]} : vector<128x4096xf32> to vector<64x4096xf32>
    %get3A_189 = arith.constant 0 : index
    %get3A_190 = arith.constant 0 : index
    %get3A_191 = vector.load %arg7[%get3A_189, %get3A_190] : memref<64x128xf32, #tpu.memory_space<vmem>>, vector<64x128xf32>
    %mul3A_192 = arith.mulf %slice3A_188, %add3A_104 : vector<64x4096xf32>
    %concatenate3A_193 = tpu.concatenate %concatenate3A_169, %mul3A_192 in 0 : vector<64x4096xf32>, vector<64x4096xf32> -> vector<128x4096xf32>
    %dot_general3A_194 = arith.constant dense<0.000000e+00> : vector<64x4096xf32>
    %dot_general3A_195 = tpu.matmul %get3A_191, %concatenate3A_193, %dot_general3A_194 {dimension_numbers = #tpu.dot_dimension_numbers<[1], [0], [0], [1], [0, 0, 1, 1], [], []>, transpose_lhs_hint = false} : vector<64x128xf32>, vector<128x4096xf32>, vector<64x4096xf32> -> vector<64x4096xf32>
    %get3A_196 = arith.constant 0 : index
    %get3A_197 = arith.constant 0 : index
    %get3A_198 = vector.load %arg8[%get3A_196, %get3A_197] : memref<64x1xf32, #tpu.memory_space<vmem>>, vector<64x1xf32>
    %add3A_199 = vector.broadcast %get3A_198 : vector<64x1xf32> to vector<64x4096xf32>
    %add3A_200 = arith.addf %dot_general3A_195, %add3A_199 : vector<64x4096xf32>
    %tanh3A_201 = math.tanh %add3A_200 : vector<64x4096xf32>
    %sub3A_202 = arith.subf %tanh3A_201, %add3A_104 : vector<64x4096xf32>
    %mul3A_203 = arith.mulf %slice3A_187, %sub3A_202 : vector<64x4096xf32>
    %add3A_204 = arith.addf %add3A_104, %mul3A_203 : vector<64x4096xf32>
    %get3A_205 = arith.constant 0 : index
    %get3A_206 = arith.constant 0 : index
    %get3A_207 = vector.load %arg9[%get3A_205, %get3A_206] : memref<128x64xf32, #tpu.memory_space<vmem>>, vector<128x64xf32>
    %dot_general3A_208 = arith.constant dense<0.000000e+00> : vector<128x4096xf32>
    %dot_general3A_209 = tpu.matmul %get3A_207, %add3A_204, %dot_general3A_208 {dimension_numbers = #tpu.dot_dimension_numbers<[1], [0], [0], [1], [0, 0, 1, 1], [], []>, transpose_lhs_hint = false} : vector<128x64xf32>, vector<64x4096xf32>, vector<128x4096xf32> -> vector<128x4096xf32>
    %get3A_210 = arith.constant 0 : index
    %get3A_211 = arith.constant 0 : index
    %get3A_212 = vector.load %arg10[%get3A_210, %get3A_211] : memref<128x1xf32, #tpu.memory_space<vmem>>, vector<128x1xf32>
    %add3A_213 = vector.broadcast %get3A_212 : vector<128x1xf32> to vector<128x4096xf32>
    %add3A_214 = arith.addf %dot_general3A_209, %add3A_213 : vector<128x4096xf32>
    %slice3A_215 = vector.extract_strided_slice %add3A_214 {offsets = [0, 0], sizes = [64, 4096], strides = [1, 1]} : vector<128x4096xf32> to vector<64x4096xf32>
    %logistic3A_216 = arith.negf %slice3A_215 : vector<64x4096xf32>
    %logistic3A_217 = math.exp %logistic3A_216 : vector<64x4096xf32>
    %logistic3A_218 = arith.constant 1.000000e+00 : f32
    %logistic3A_219 = vector.broadcast %logistic3A_218 : f32 to vector<64x4096xf32>
    %logistic3A_220 = arith.addf %logistic3A_219, %logistic3A_217 : vector<64x4096xf32>
    %logistic3A_221 = arith.divf %logistic3A_219, %logistic3A_220 : vector<64x4096xf32>
    %slice3A_222 = vector.extract_strided_slice %add3A_214 {offsets = [64, 0], sizes = [64, 4096], strides = [1, 1]} : vector<128x4096xf32> to vector<64x4096xf32>
    %tanh3A_223 = math.tanh %slice3A_222 : vector<64x4096xf32>
    %mul3A_224 = arith.mulf %logistic3A_221, %tanh3A_223 : vector<64x4096xf32>
    %slice3A_225 = vector.extract_strided_slice %mul3A_224 {offsets = [0, 0], sizes = [64, 512], strides = [1, 1]} : vector<64x4096xf32> to vector<64x512xf32>
    %reduce_sum3A = arith.constant dense<0.000000e+00> : vector<64xf32>
    %reduce_sum3A_226 = vector.multi_reduction <add>, %slice3A_225, %reduce_sum3A [1] : vector<64x512xf32> to vector<64xf32>
    %broadcast_in_dim3A = vector.shape_cast %reduce_sum3A_226 : vector<64xf32> to vector<64x1xf32>
    %mul3A_227 = arith.constant 0.001953125 : f32
    %mul3A_228 = vector.broadcast %mul3A_227 : f32 to vector<64x1xf32>
    %mul3A_229 = arith.mulf %broadcast_in_dim3A, %mul3A_228 : vector<64x1xf32>
    %reduce_max3A = arith.constant dense<0xFF800000> : vector<64xf32>
    %reduce_max3A_230 = vector.multi_reduction <maximumf>, %slice3A_225, %reduce_max3A [1] : vector<64x512xf32> to vector<64xf32>
    %broadcast_in_dim3A_231 = vector.shape_cast %reduce_max3A_230 : vector<64xf32> to vector<64x1xf32>
    %add3A_232 = arith.addf %mul3A_229, %broadcast_in_dim3A_231 : vector<64x1xf32>
    %get3A_233 = arith.constant 0 : index
    %get3A_234 = arith.constant 0 : index
    %get3A_235 = vector.load %arg11[%get3A_233, %get3A_234] : memref<64x8xf32, #tpu.memory_space<vmem>>, vector<64x8xf32>
    %dot_general3A_236 = arith.constant dense<0.000000e+00> : vector<1x8xf32>
    %dot_general3A_237 = tpu.matmul %add3A_232, %get3A_235, %dot_general3A_236 {dimension_numbers = #tpu.dot_dimension_numbers<[0], [0], [1], [1], [0, 1, 1, 1], [], []>, transpose_lhs_hint = false} : vector<64x1xf32>, vector<64x8xf32>, vector<1x8xf32> -> vector<1x8xf32>
    %get3A_238 = arith.constant 0 : index
    %get3A_239 = arith.constant 0 : index
    %get3A_240 = vector.load %arg12[%get3A_238, %get3A_239] : memref<1x8xf32, #tpu.memory_space<vmem>>, vector<1x8xf32>
    %add3A_241 = arith.addf %dot_general3A_237, %get3A_240 : vector<1x8xf32>
    %swap3A = arith.constant 0 : index
    %swap3A_242 = arith.constant 0 : index
    %swap3A_243 = arith.constant 0 : index
    %swap3A_244 = vector.load %arg13[%swap3A, %swap3A_242, %swap3A_243] : memref<8x1x8xf32, #tpu.memory_space<vmem>>, vector<1x1x8xf32>
    %swap3A_245 = vector.shape_cast %swap3A_244 : vector<1x1x8xf32> to vector<1x8xf32>
    %swap3A_246 = vector.shape_cast %add3A_241 : vector<1x8xf32> to vector<1x1x8xf32>
    tpu.vector_store %arg13[%swap3A, %swap3A_242, %swap3A_243], %swap3A_246 {strides = array<i32>} : memref<8x1x8xf32, #tpu.memory_space<vmem>>, vector<1x1x8xf32>,
    %slice3A_247 = vector.extract_strided_slice %mul3A_224 {offsets = [0, 512], sizes = [64, 512], strides = [1, 1]} : vector<64x4096xf32> to vector<64x512xf32>
    %reduce_sum3A_248 = arith.constant dense<0.000000e+00> : vector<64xf32>
    %reduce_sum3A_249 = vector.multi_reduction <add>, %slice3A_247, %reduce_sum3A_248 [1] : vector<64x512xf32> to vector<64xf32>
    %broadcast_in_dim3A_250 = vector.shape_cast %reduce_sum3A_249 : vector<64xf32> to vector<64x1xf32>
    %mul3A_251 = arith.constant 0.001953125 : f32
    %mul3A_252 = vector.broadcast %mul3A_251 : f32 to vector<64x1xf32>
    %mul3A_253 = arith.mulf %broadcast_in_dim3A_250, %mul3A_252 : vector<64x1xf32>
    %reduce_max3A_254 = arith.constant dense<0xFF800000> : vector<64xf32>
    %reduce_max3A_255 = vector.multi_reduction <maximumf>, %slice3A_247, %reduce_max3A_254 [1] : vector<64x512xf32> to vector<64xf32>
    %broadcast_in_dim3A_256 = vector.shape_cast %reduce_max3A_255 : vector<64xf32> to vector<64x1xf32>
    %add3A_257 = arith.addf %mul3A_253, %broadcast_in_dim3A_256 : vector<64x1xf32>
    %get3A_258 = arith.constant 0 : index
    %get3A_259 = arith.constant 0 : index
    %get3A_260 = vector.load %arg11[%get3A_258, %get3A_259] : memref<64x8xf32, #tpu.memory_space<vmem>>, vector<64x8xf32>
    %dot_general3A_261 = arith.constant dense<0.000000e+00> : vector<1x8xf32>
    %dot_general3A_262 = tpu.matmul %add3A_257, %get3A_260, %dot_general3A_261 {dimension_numbers = #tpu.dot_dimension_numbers<[0], [0], [1], [1], [0, 1, 1, 1], [], []>, transpose_lhs_hint = false} : vector<64x1xf32>, vector<64x8xf32>, vector<1x8xf32> -> vector<1x8xf32>
    %get3A_263 = arith.constant 0 : index
    %get3A_264 = arith.constant 0 : index
    %get3A_265 = vector.load %arg12[%get3A_263, %get3A_264] : memref<1x8xf32, #tpu.memory_space<vmem>>, vector<1x8xf32>
    %add3A_266 = arith.addf %dot_general3A_262, %get3A_265 : vector<1x8xf32>
    %swap3A_267 = arith.constant 1 : index
    %swap3A_268 = arith.constant 0 : index
    %swap3A_269 = arith.constant 0 : index
    %swap3A_270 = vector.load %arg13[%swap3A_267, %swap3A_268, %swap3A_269] : memref<8x1x8xf32, #tpu.memory_space<vmem>>, vector<1x1x8xf32>
    %swap3A_271 = vector.shape_cast %swap3A_270 : vector<1x1x8xf32> to vector<1x8xf32>
    %swap3A_272 = vector.shape_cast %add3A_266 : vector<1x8xf32> to vector<1x1x8xf32>
    tpu.vector_store %arg13[%swap3A_267, %swap3A_268, %swap3A_269], %swap3A_272 {strides = array<i32>} : memref<8x1x8xf32, #tpu.memory_space<vmem>>, vector<1x1x8xf32>,
    %slice3A_273 = vector.extract_strided_slice %mul3A_224 {offsets = [0, 1024], sizes = [64, 512], strides = [1, 1]} : vector<64x4096xf32> to vector<64x512xf32>
    %reduce_sum3A_274 = arith.constant dense<0.000000e+00> : vector<64xf32>
    %reduce_sum3A_275 = vector.multi_reduction <add>, %slice3A_273, %reduce_sum3A_274 [1] : vector<64x512xf32> to vector<64xf32>
    %broadcast_in_dim3A_276 = vector.shape_cast %reduce_sum3A_275 : vector<64xf32> to vector<64x1xf32>
    %mul3A_277 = arith.constant 0.001953125 : f32
    %mul3A_278 = vector.broadcast %mul3A_277 : f32 to vector<64x1xf32>
    %mul3A_279 = arith.mulf %broadcast_in_dim3A_276, %mul3A_278 : vector<64x1xf32>
    %reduce_max3A_280 = arith.constant dense<0xFF800000> : vector<64xf32>
    %reduce_max3A_281 = vector.multi_reduction <maximumf>, %slice3A_273, %reduce_max3A_280 [1] : vector<64x512xf32> to vector<64xf32>
    %broadcast_in_dim3A_282 = vector.shape_cast %reduce_max3A_281 : vector<64xf32> to vector<64x1xf32>
    %add3A_283 = arith.addf %mul3A_279, %broadcast_in_dim3A_282 : vector<64x1xf32>
    %get3A_284 = arith.constant 0 : index
    %get3A_285 = arith.constant 0 : index
    %get3A_286 = vector.load %arg11[%get3A_284, %get3A_285] : memref<64x8xf32, #tpu.memory_space<vmem>>, vector<64x8xf32>
    %dot_general3A_287 = arith.constant dense<0.000000e+00> : vector<1x8xf32>
    %dot_general3A_288 = tpu.matmul %add3A_283, %get3A_286, %dot_general3A_287 {dimension_numbers = #tpu.dot_dimension_numbers<[0], [0], [1], [1], [0, 1, 1, 1], [], []>, transpose_lhs_hint = false} : vector<64x1xf32>, vector<64x8xf32>, vector<1x8xf32> -> vector<1x8xf32>
    %get3A_289 = arith.constant 0 : index
    %get3A_290 = arith.constant 0 : index
    %get3A_291 = vector.load %arg12[%get3A_289, %get3A_290] : memref<1x8xf32, #tpu.memory_space<vmem>>, vector<1x8xf32>
    %add3A_292 = arith.addf %dot_general3A_288, %get3A_291 : vector<1x8xf32>
    %swap3A_293 = arith.constant 2 : index
    %swap3A_294 = arith.constant 0 : index
    %swap3A_295 = arith.constant 0 : index
    %swap3A_296 = vector.load %arg13[%swap3A_293, %swap3A_294, %swap3A_295] : memref<8x1x8xf32, #tpu.memory_space<vmem>>, vector<1x1x8xf32>
    %swap3A_297 = vector.shape_cast %swap3A_296 : vector<1x1x8xf32> to vector<1x8xf32>
    %swap3A_298 = vector.shape_cast %add3A_292 : vector<1x8xf32> to vector<1x1x8xf32>
    tpu.vector_store %arg13[%swap3A_293, %swap3A_294, %swap3A_295], %swap3A_298 {strides = array<i32>} : memref<8x1x8xf32, #tpu.memory_space<vmem>>, vector<1x1x8xf32>,
    %slice3A_299 = vector.extract_strided_slice %mul3A_224 {offsets = [0, 1536], sizes = [64, 512], strides = [1, 1]} : vector<64x4096xf32> to vector<64x512xf32>
    %reduce_sum3A_300 = arith.constant dense<0.000000e+00> : vector<64xf32>
    %reduce_sum3A_301 = vector.multi_reduction <add>, %slice3A_299, %reduce_sum3A_300 [1] : vector<64x512xf32> to vector<64xf32>
    %broadcast_in_dim3A_302 = vector.shape_cast %reduce_sum3A_301 : vector<64xf32> to vector<64x1xf32>
    %mul3A_303 = arith.constant 0.001953125 : f32
    %mul3A_304 = vector.broadcast %mul3A_303 : f32 to vector<64x1xf32>
    %mul3A_305 = arith.mulf %broadcast_in_dim3A_302, %mul3A_304 : vector<64x1xf32>
    %reduce_max3A_306 = arith.constant dense<0xFF800000> : vector<64xf32>
    %reduce_max3A_307 = vector.multi_reduction <maximumf>, %slice3A_299, %reduce_max3A_306 [1] : vector<64x512xf32> to vector<64xf32>
    %broadcast_in_dim3A_308 = vector.shape_cast %reduce_max3A_307 : vector<64xf32> to vector<64x1xf32>
    %add3A_309 = arith.addf %mul3A_305, %broadcast_in_dim3A_308 : vector<64x1xf32>
    %get3A_310 = arith.constant 0 : index
    %get3A_311 = arith.constant 0 : index
    %get3A_312 = vector.load %arg11[%get3A_310, %get3A_311] : memref<64x8xf32, #tpu.memory_space<vmem>>, vector<64x8xf32>
    %dot_general3A_313 = arith.constant dense<0.000000e+00> : vector<1x8xf32>
    %dot_general3A_314 = tpu.matmul %add3A_309, %get3A_312, %dot_general3A_313 {dimension_numbers = #tpu.dot_dimension_numbers<[0], [0], [1], [1], [0, 1, 1, 1], [], []>, transpose_lhs_hint = false} : vector<64x1xf32>, vector<64x8xf32>, vector<1x8xf32> -> vector<1x8xf32>
    %get3A_315 = arith.constant 0 : index
    %get3A_316 = arith.constant 0 : index
    %get3A_317 = vector.load %arg12[%get3A_315, %get3A_316] : memref<1x8xf32, #tpu.memory_space<vmem>>, vector<1x8xf32>
    %add3A_318 = arith.addf %dot_general3A_314, %get3A_317 : vector<1x8xf32>
    %swap3A_319 = arith.constant 3 : index
    %swap3A_320 = arith.constant 0 : index
    %swap3A_321 = arith.constant 0 : index
    %swap3A_322 = vector.load %arg13[%swap3A_319, %swap3A_320, %swap3A_321] : memref<8x1x8xf32, #tpu.memory_space<vmem>>, vector<1x1x8xf32>
    %swap3A_323 = vector.shape_cast %swap3A_322 : vector<1x1x8xf32> to vector<1x8xf32>
    %swap3A_324 = vector.shape_cast %add3A_318 : vector<1x8xf32> to vector<1x1x8xf32>
    tpu.vector_store %arg13[%swap3A_319, %swap3A_320, %swap3A_321], %swap3A_324 {strides = array<i32>} : memref<8x1x8xf32, #tpu.memory_space<vmem>>, vector<1x1x8xf32>,
    %slice3A_325 = vector.extract_strided_slice %mul3A_224 {offsets = [0, 2048], sizes = [64, 512], strides = [1, 1]} : vector<64x4096xf32> to vector<64x512xf32>
    %reduce_sum3A_326 = arith.constant dense<0.000000e+00> : vector<64xf32>
    %reduce_sum3A_327 = vector.multi_reduction <add>, %slice3A_325, %reduce_sum3A_326 [1] : vector<64x512xf32> to vector<64xf32>
    %broadcast_in_dim3A_328 = vector.shape_cast %reduce_sum3A_327 : vector<64xf32> to vector<64x1xf32>
    %mul3A_329 = arith.constant 0.001953125 : f32
    %mul3A_330 = vector.broadcast %mul3A_329 : f32 to vector<64x1xf32>
    %mul3A_331 = arith.mulf %broadcast_in_dim3A_328, %mul3A_330 : vector<64x1xf32>
    %reduce_max3A_332 = arith.constant dense<0xFF800000> : vector<64xf32>
    %reduce_max3A_333 = vector.multi_reduction <maximumf>, %slice3A_325, %reduce_max3A_332 [1] : vector<64x512xf32> to vector<64xf32>
    %broadcast_in_dim3A_334 = vector.shape_cast %reduce_max3A_333 : vector<64xf32> to vector<64x1xf32>
    %add3A_335 = arith.addf %mul3A_331, %broadcast_in_dim3A_334 : vector<64x1xf32>
    %get3A_336 = arith.constant 0 : index
    %get3A_337 = arith.constant 0 : index
    %get3A_338 = vector.load %arg11[%get3A_336, %get3A_337] : memref<64x8xf32, #tpu.memory_space<vmem>>, vector<64x8xf32>
    %dot_general3A_339 = arith.constant dense<0.000000e+00> : vector<1x8xf32>
    %dot_general3A_340 = tpu.matmul %add3A_335, %get3A_338, %dot_general3A_339 {dimension_numbers = #tpu.dot_dimension_numbers<[0], [0], [1], [1], [0, 1, 1, 1], [], []>, transpose_lhs_hint = false} : vector<64x1xf32>, vector<64x8xf32>, vector<1x8xf32> -> vector<1x8xf32>
    %get3A_341 = arith.constant 0 : index
    %get3A_342 = arith.constant 0 : index
    %get3A_343 = vector.load %arg12[%get3A_341, %get3A_342] : memref<1x8xf32, #tpu.memory_space<vmem>>, vector<1x8xf32>
    %add3A_344 = arith.addf %dot_general3A_340, %get3A_343 : vector<1x8xf32>
    %swap3A_345 = arith.constant 4 : index
    %swap3A_346 = arith.constant 0 : index
    %swap3A_347 = arith.constant 0 : index
    %swap3A_348 = vector.load %arg13[%swap3A_345, %swap3A_346, %swap3A_347] : memref<8x1x8xf32, #tpu.memory_space<vmem>>, vector<1x1x8xf32>
    %swap3A_349 = vector.shape_cast %swap3A_348 : vector<1x1x8xf32> to vector<1x8xf32>
    %swap3A_350 = vector.shape_cast %add3A_344 : vector<1x8xf32> to vector<1x1x8xf32>
    tpu.vector_store %arg13[%swap3A_345, %swap3A_346, %swap3A_347], %swap3A_350 {strides = array<i32>} : memref<8x1x8xf32, #tpu.memory_space<vmem>>, vector<1x1x8xf32>,
    %slice3A_351 = vector.extract_strided_slice %mul3A_224 {offsets = [0, 2560], sizes = [64, 512], strides = [1, 1]} : vector<64x4096xf32> to vector<64x512xf32>
    %reduce_sum3A_352 = arith.constant dense<0.000000e+00> : vector<64xf32>
    %reduce_sum3A_353 = vector.multi_reduction <add>, %slice3A_351, %reduce_sum3A_352 [1] : vector<64x512xf32> to vector<64xf32>
    %broadcast_in_dim3A_354 = vector.shape_cast %reduce_sum3A_353 : vector<64xf32> to vector<64x1xf32>
    %mul3A_355 = arith.constant 0.001953125 : f32
    %mul3A_356 = vector.broadcast %mul3A_355 : f32 to vector<64x1xf32>
    %mul3A_357 = arith.mulf %broadcast_in_dim3A_354, %mul3A_356 : vector<64x1xf32>
    %reduce_max3A_358 = arith.constant dense<0xFF800000> : vector<64xf32>
    %reduce_max3A_359 = vector.multi_reduction <maximumf>, %slice3A_351, %reduce_max3A_358 [1] : vector<64x512xf32> to vector<64xf32>
    %broadcast_in_dim3A_360 = vector.shape_cast %reduce_max3A_359 : vector<64xf32> to vector<64x1xf32>
    %add3A_361 = arith.addf %mul3A_357, %broadcast_in_dim3A_360 : vector<64x1xf32>
    %get3A_362 = arith.constant 0 : index
    %get3A_363 = arith.constant 0 : index
    %get3A_364 = vector.load %arg11[%get3A_362, %get3A_363] : memref<64x8xf32, #tpu.memory_space<vmem>>, vector<64x8xf32>
    %dot_general3A_365 = arith.constant dense<0.000000e+00> : vector<1x8xf32>
    %dot_general3A_366 = tpu.matmul %add3A_361, %get3A_364, %dot_general3A_365 {dimension_numbers = #tpu.dot_dimension_numbers<[0], [0], [1], [1], [0, 1, 1, 1], [], []>, transpose_lhs_hint = false} : vector<64x1xf32>, vector<64x8xf32>, vector<1x8xf32> -> vector<1x8xf32>
    %get3A_367 = arith.constant 0 : index
    %get3A_368 = arith.constant 0 : index
    %get3A_369 = vector.load %arg12[%get3A_367, %get3A_368] : memref<1x8xf32, #tpu.memory_space<vmem>>, vector<1x8xf32>
    %add3A_370 = arith.addf %dot_general3A_366, %get3A_369 : vector<1x8xf32>
    %swap3A_371 = arith.constant 5 : index
    %swap3A_372 = arith.constant 0 : index
    %swap3A_373 = arith.constant 0 : index
    %swap3A_374 = vector.load %arg13[%swap3A_371, %swap3A_372, %swap3A_373] : memref<8x1x8xf32, #tpu.memory_space<vmem>>, vector<1x1x8xf32>
    %swap3A_375 = vector.shape_cast %swap3A_374 : vector<1x1x8xf32> to vector<1x8xf32>
    %swap3A_376 = vector.shape_cast %add3A_370 : vector<1x8xf32> to vector<1x1x8xf32>
    tpu.vector_store %arg13[%swap3A_371, %swap3A_372, %swap3A_373], %swap3A_376 {strides = array<i32>} : memref<8x1x8xf32, #tpu.memory_space<vmem>>, vector<1x1x8xf32>,
    %slice3A_377 = vector.extract_strided_slice %mul3A_224 {offsets = [0, 3072], sizes = [64, 512], strides = [1, 1]} : vector<64x4096xf32> to vector<64x512xf32>
    %reduce_sum3A_378 = arith.constant dense<0.000000e+00> : vector<64xf32>
    %reduce_sum3A_379 = vector.multi_reduction <add>, %slice3A_377, %reduce_sum3A_378 [1] : vector<64x512xf32> to vector<64xf32>
    %broadcast_in_dim3A_380 = vector.shape_cast %reduce_sum3A_379 : vector<64xf32> to vector<64x1xf32>
    %mul3A_381 = arith.constant 0.001953125 : f32
    %mul3A_382 = vector.broadcast %mul3A_381 : f32 to vector<64x1xf32>
    %mul3A_383 = arith.mulf %broadcast_in_dim3A_380, %mul3A_382 : vector<64x1xf32>
    %reduce_max3A_384 = arith.constant dense<0xFF800000> : vector<64xf32>
    %reduce_max3A_385 = vector.multi_reduction <maximumf>, %slice3A_377, %reduce_max3A_384 [1] : vector<64x512xf32> to vector<64xf32>
    %broadcast_in_dim3A_386 = vector.shape_cast %reduce_max3A_385 : vector<64xf32> to vector<64x1xf32>
    %add3A_387 = arith.addf %mul3A_383, %broadcast_in_dim3A_386 : vector<64x1xf32>
    %get3A_388 = arith.constant 0 : index
    %get3A_389 = arith.constant 0 : index
    %get3A_390 = vector.load %arg11[%get3A_388, %get3A_389] : memref<64x8xf32, #tpu.memory_space<vmem>>, vector<64x8xf32>
    %dot_general3A_391 = arith.constant dense<0.000000e+00> : vector<1x8xf32>
    %dot_general3A_392 = tpu.matmul %add3A_387, %get3A_390, %dot_general3A_391 {dimension_numbers = #tpu.dot_dimension_numbers<[0], [0], [1], [1], [0, 1, 1, 1], [], []>, transpose_lhs_hint = false} : vector<64x1xf32>, vector<64x8xf32>, vector<1x8xf32> -> vector<1x8xf32>
    %get3A_393 = arith.constant 0 : index
    %get3A_394 = arith.constant 0 : index
    %get3A_395 = vector.load %arg12[%get3A_393, %get3A_394] : memref<1x8xf32, #tpu.memory_space<vmem>>, vector<1x8xf32>
    %add3A_396 = arith.addf %dot_general3A_392, %get3A_395 : vector<1x8xf32>
    %swap3A_397 = arith.constant 6 : index
    %swap3A_398 = arith.constant 0 : index
    %swap3A_399 = arith.constant 0 : index
    %swap3A_400 = vector.load %arg13[%swap3A_397, %swap3A_398, %swap3A_399] : memref<8x1x8xf32, #tpu.memory_space<vmem>>, vector<1x1x8xf32>
    %swap3A_401 = vector.shape_cast %swap3A_400 : vector<1x1x8xf32> to vector<1x8xf32>
    %swap3A_402 = vector.shape_cast %add3A_396 : vector<1x8xf32> to vector<1x1x8xf32>
    tpu.vector_store %arg13[%swap3A_397, %swap3A_398, %swap3A_399], %swap3A_402 {strides = array<i32>} : memref<8x1x8xf32, #tpu.memory_space<vmem>>, vector<1x1x8xf32>,
    %slice3A_403 = vector.extract_strided_slice %mul3A_224 {offsets = [0, 3584], sizes = [64, 512], strides = [1, 1]} : vector<64x4096xf32> to vector<64x512xf32>
    %reduce_sum3A_404 = arith.constant dense<0.000000e+00> : vector<64xf32>
    %reduce_sum3A_405 = vector.multi_reduction <add>, %slice3A_403, %reduce_sum3A_404 [1] : vector<64x512xf32> to vector<64xf32>
    %broadcast_in_dim3A_406 = vector.shape_cast %reduce_sum3A_405 : vector<64xf32> to vector<64x1xf32>
    %mul3A_407 = arith.constant 0.001953125 : f32
    %mul3A_408 = vector.broadcast %mul3A_407 : f32 to vector<64x1xf32>
    %mul3A_409 = arith.mulf %broadcast_in_dim3A_406, %mul3A_408 : vector<64x1xf32>
    %reduce_max3A_410 = arith.constant dense<0xFF800000> : vector<64xf32>
    %reduce_max3A_411 = vector.multi_reduction <maximumf>, %slice3A_403, %reduce_max3A_410 [1] : vector<64x512xf32> to vector<64xf32>
    %broadcast_in_dim3A_412 = vector.shape_cast %reduce_max3A_411 : vector<64xf32> to vector<64x1xf32>
    %add3A_413 = arith.addf %mul3A_409, %broadcast_in_dim3A_412 : vector<64x1xf32>
    %get3A_414 = arith.constant 0 : index
    %get3A_415 = arith.constant 0 : index
    %get3A_416 = vector.load %arg11[%get3A_414, %get3A_415] : memref<64x8xf32, #tpu.memory_space<vmem>>, vector<64x8xf32>
    %dot_general3A_417 = arith.constant dense<0.000000e+00> : vector<1x8xf32>
    %dot_general3A_418 = tpu.matmul %add3A_413, %get3A_416, %dot_general3A_417 {dimension_numbers = #tpu.dot_dimension_numbers<[0], [0], [1], [1], [0, 1, 1, 1], [], []>, transpose_lhs_hint = false} : vector<64x1xf32>, vector<64x8xf32>, vector<1x8xf32> -> vector<1x8xf32>
    %get3A_419 = arith.constant 0 : index
    %get3A_420 = arith.constant 0 : index
    %get3A_421 = vector.load %arg12[%get3A_419, %get3A_420] : memref<1x8xf32, #tpu.memory_space<vmem>>, vector<1x8xf32>
    %add3A_422 = arith.addf %dot_general3A_418, %get3A_421 : vector<1x8xf32>
    %swap3A_423 = arith.constant 7 : index
    %swap3A_424 = arith.constant 0 : index
    %swap3A_425 = arith.constant 0 : index
    %swap3A_426 = vector.load %arg13[%swap3A_423, %swap3A_424, %swap3A_425] : memref<8x1x8xf32, #tpu.memory_space<vmem>>, vector<1x1x8xf32>
    %swap3A_427 = vector.shape_cast %swap3A_426 : vector<1x1x8xf32> to vector<1x8xf32>
    %swap3A_428 = vector.shape_cast %add3A_422 : vector<1x8xf32> to vector<1x1x8xf32>
    tpu.vector_store %arg13[%swap3A_423, %swap3A_424, %swap3A_425], %swap3A_428 {strides = array<i32>} : memref<8x1x8xf32, #tpu.memory_space<vmem>>, vector<1x1x8xf32>,
    return
  }
  func.func @transform_0(%arg0: i32) -> (i32, i32) {
    %c0_i32 = arith.constant 0 : i32
    %c0_i32_0 = arith.constant 0 : i32
    return %c0_i32, %arg0 : i32, i32
  }
  func.func @transform_1(%arg0: i32) -> (i32, i32, i32) {
    %c0_i32 = arith.constant 0 : i32
    %c0_i32_0 = arith.constant 0 : i32
    %c0_i32_1 = arith.constant 0 : i32
    return %arg0, %c0_i32, %c0_i32_0 : i32, i32, i32
  }
  func.func @transform_2(%arg0: i32) -> (i32, i32) {
    %c0_i32 = arith.constant 0 : i32
    %c0_i32_0 = arith.constant 0 : i32
    %c0_i32_1 = arith.constant 0 : i32
    return %c0_i32, %c0_i32_0 : i32, i32
  }
  func.func @transform_3(%arg0: i32) -> (i32, i32) {
    %c0_i32 = arith.constant 0 : i32
    %c0_i32_0 = arith.constant 0 : i32
    %c0_i32_1 = arith.constant 0 : i32
    return %c0_i32, %c0_i32_0 : i32, i32
  }
  func.func @transform_4(%arg0: i32) -> (i32, i32) {
    %c0_i32 = arith.constant 0 : i32
    %c0_i32_0 = arith.constant 0 : i32
    %c0_i32_1 = arith.constant 0 : i32
    return %c0_i32, %c0_i32_0 : i32, i32
  }
  func.func @transform_5(%arg0: i32) -> (i32, i32) {
    %c0_i32 = arith.constant 0 : i32
    %c0_i32_0 = arith.constant 0 : i32
    %c0_i32_1 = arith.constant 0 : i32
    return %c0_i32, %c0_i32_0 : i32, i32
  }
  func.func @transform_6(%arg0: i32) -> (i32, i32) {
    %c0_i32 = arith.constant 0 : i32
    %c0_i32_0 = arith.constant 0 : i32
    %c0_i32_1 = arith.constant 0 : i32
    return %c0_i32, %c0_i32_0 : i32, i32
  }
  func.func @transform_7(%arg0: i32) -> (i32, i32) {
    %c0_i32 = arith.constant 0 : i32
    %c0_i32_0 = arith.constant 0 : i32
    %c0_i32_1 = arith.constant 0 : i32
    return %c0_i32, %c0_i32_0 : i32, i32
  }
  func.func @transform_8(%arg0: i32) -> (i32, i32) {
    %c0_i32 = arith.constant 0 : i32
    %c0_i32_0 = arith.constant 0 : i32
    %c0_i32_1 = arith.constant 0 : i32
    return %c0_i32, %c0_i32_0 : i32, i32
  }
  func.func @transform_9(%arg0: i32) -> (i32, i32) {
    %c0_i32 = arith.constant 0 : i32
    %c0_i32_0 = arith.constant 0 : i32
    %c0_i32_1 = arith.constant 0 : i32
    return %c0_i32, %c0_i32_0 : i32, i32
  }
  func.func @transform_10(%arg0: i32) -> (i32, i32) {
    %c0_i32 = arith.constant 0 : i32
    %c0_i32_0 = arith.constant 0 : i32
    %c0_i32_1 = arith.constant 0 : i32
    return %c0_i32, %c0_i32_0 : i32, i32
  }
  func.func @transform_11(%arg0: i32) -> (i32, i32) {
    %c0_i32 = arith.constant 0 : i32
    %c0_i32_0 = arith.constant 0 : i32
    %c0_i32_1 = arith.constant 0 : i32
    return %c0_i32, %c0_i32_0 : i32, i32
  }
  func.func @transform_12(%arg0: i32) -> (i32, i32, i32) {
    %c0_i32 = arith.constant 0 : i32
    %c0_i32_0 = arith.constant 0 : i32
    %c0_i32_1 = arith.constant 0 : i32
    return %arg0, %c0_i32, %c0_i32_0 : i32, i32, i32
  }
}

</mosaic_0001>

<sc_bundles>
// kernel: sparse-core-data-format-call.cloned.1.call-start
scs
called_computation_lowered:
.L_overlay_start_0:
0x0: {  	s1 =	sld [smem:$0x3FD9]  }
0x1: {  	s2 =	sld [smem:$0x3FFE];
	_ =	sdelay $0x1  }
0x2: {  	s3 =	srdreg.scid  }
0x3: {  	s0 =	sand.u32 $0x1, s3  }
0x4: {  	s17 =	sshll.u32 s0, $0xA;
	s1 =	sadd.s32 s2, s1  }
0x5: {  	s1 =	sadd.s32 s1, s17  }
0x6: {  	[smem:$0x3FB5] =	sst s1  }
0x7: {  	_ = 	snop  }
0x8: {  	(tm) =	ssettm $0x1  }
0x9: {  	s18 =	sld [smem:$0x3FFB];
	_ =	sdelay $0x3  }
0xa: {  	_ =	strace s18  }
0xb: {  	s1 =	sld [smem:$0x3FFC];
	_ =	sdelay $0x3  }
0xc: {  	_ =	strace s1  }
0xd: {  	s1 =	sld [smem:$0x3FFD];
	_ =	sdelay $0x3  }
0xe: {  	_ =	strace s1  }
0xf: {  	_ =	strace $0x8FFFFFFF  }
0x10: {  	s19 =	sld [smem:$0x3FDB];
	_ =	sdelay $0x1  }
0x11: {  	s20 =	simm.s32 $_scs_section_size  }
0x12: {  	s4 =	simm.s32 $_size__tile_overlayer_lowered;
	s5 =	simm.s32 $_tile_overlayer_lowered  }
0x13: {  	s23 =	simm.s32 $0x1BFF;
	s22 =	sshll.u32 s5, $0x1;
	s1 =	sadd.s32 s20, s19  }
0x14: {  	s6 =	simm.s32 $0x0;
	s21 =	sshll.u32 s4, $0x1;
	s4 =	sadd.s32 s22, s1  }
0x15: {  	[timem:s6], [sflag:s23] =	dma.local [hbm:s4], s21  }
0x16: {  	_ =	swait.ge [sflag:s23], s21  }
0x17: {  	s2 =	ssub.s32 $0x0, s21;
	[sflag:s23] =	ssyncset.done $0x0  }
0x18: {  	[sflag:s23] =	ssyncadd.s32 s2;
	_ =	sdelay $0x1  }
0x19: {  	s24 =	simm.s32 $0x1B8B  }
0x1a: {  	_ =	swait.ge [sflag:s24], $0x1  }
0x1b: {  	[sflag:s24] =	ssyncset.done $0x0  }
0x1c: {  	s26 =	simm.s32 $0x1B8E;
	s25 =	sld [smem:$0x3FFE];
	[sflag:s24] =	ssyncadd.s32 $0xFFFFFFFF  }
0x1d: {  	s27 =	simm.s32 $execute0_lowered;
	[smem:$0x3FD2] =	sst s26  }
0x1e: {  	s4 =	sshll.u32 s27, $0x1;
	_ =	strace $0x80000046;
	[dreg:$0x1] =	wrdreg $0xFFFFFFFF  }
0x1f: {  	s28 =	simm.s32 $_size_execute0_lowered;
	s1 =	sadd.s32 s1, s4;
	[dreg:$0x0] =	wrdreg $0x0  }
0x20: {  	s4 =	sshll.u32 s28, $0x1;
	[dreg:$0x2] =	wrdreg s1  }
0x21: {  	[dreg:$0x3] =	wrdreg s4  }
0x22: {  	[dreg:$0x4] =	wrdreg $0xC0  }
0x23: {  	_ =	task [dreg:s6], $0x5FFFF  }
0x24: {  	[dreg:$0x1] =	wrdreg $0xFFFFFFFF  }
0x25: {  	[dreg:$0x0] =	wrdreg $0x60  }
0x26: {  	[dreg:$0x2] =	wrdreg s25  }
0x27: {  	[dreg:$0x3] =	wrdreg $0x9  }
0x28: {  	_ =	task.clear_ibuf [dreg:s6], $0x4FFFF;
	_ =	strace $0x90000046  }
0x29: {  	s29 =	simm.s32 $0x9;
	_ =	strace $0x80000048  }
0x2a: {  	_ =	swait.ge [sflag:s29], $0x1  }
0x2b: {  	[sflag:s29] =	ssyncadd.s32 $0xFFFFFFFF  }
0x2c: {  	_ =	strace $0x90000048  }
0x2d: {  	_ =	sfence  }
0x2e: {  	s30 =	sld [smem:$0x0];
	_ =	sdelay $0x2  }
0x2f: {  	s31 =	sshll.u32 s3, $0xD;
	s3 =	sshrl.u32 s3, $0x2  }
0x30: {  	s2 =	sand.u32 $0x4000, s31;
	s1 =	sadd.s32 s3, s30  }
0x31: {  	s0 =	sor.u32 s2, s0;
	s1 =	sshll.u32 s1, $0x11  }
0x32: {  	s0 =	sor.u32 s1, s0  }
0x33: {  	s0 =	sadd.s32 $0x8F2B, s0  }
0x34: {  	[sflag:s0] =	ssyncadd.remote.s32 $0x1  }
0x35: {  	_ =	sfence.sel $0xFFFF  }
0x36: {  	[dreg:$0x0] =	wrdreg $0xFFFFFFFF;
	(pc) =	sbr.abs _section_cstart, $3  }
0x37: {  	[dreg:$0x1] =	wrdreg $0xFFFFFFFF  }
0x38: {  	_ =	task.clear_ibuf [dreg:s6], $0x2FFFF;
	_ =	strace $0x9FFFFFFF  }
0x39: {  	(tm) =	ssettm $0x7FFFFFFF  }
tec
execute0_lowered:
.L_overlay_start_1:
0x0: {  	(tag) =	ssettag $0x1  }
0x1: {  	s7 =	rddreg [dreg:$0x0]  }
0x2: {  	s1 =	stileid.u32;
	s2 =	srdreg.scid  }
0x3: {  	s0 =	rddreg [dreg:$0x1];
	_ =	strace $0x80000047;
	s30 =	simm.s32 $0x2  }
0x4: {  	s15 =	simm.s32 $0x0;
	s12 =	simm.s32 $0x0;
	s17 =	simm.s32 $0x0  }
0x5: {  	s16 =	simm.s32 $0x0;
	s14 =	simm.s32 $0x0;
	s24 =	simm.s32 $0x0  }
0x6: {  	s3 =	sshll.u32 s1, $0x4;
	s2 =	sshll.u32 s2, $0x8;
	s4 =	sand.u32 $0x6, s1  }
0x7: {  	s3 =	sor.u32 s3, s2;
	s2 =	sand.u32 $0x1, s1;
	s9 =	ssub.s32 $0x8, s4  }
0x8: {  	s31 =	sshll.u32 s4, $0xC;
	s3 =	sand.u32 $0x180, s3;
	s5 =	ssub.s32 $0x26, s2  }
0x9: {  	s28 =	sand.u32 $0x6, s9;
	s6 =	sshrl.u32 s5, $0x1;
	s8 =	sand.u32 $0x1, s5  }
0xa: {  	p0 =	sne.s32 s28, $0x0;
	s6 =	sadd.s32 s8, s6;
	s8 =	simm.s32 $0x1  }
0xb: {  	s9 =	sshrl.u32 s9, $0x3;
	s10 =	ssub.s32 $0x200, s3;
	s8 =	simm.s32 @!p0 $0x0  }
0xc: {  	s13 =	smov.u32 s2;
	s11 =	sand.u32 $0x180, s10;
	s8 =	sadd.s32 s8, s9  }
0xd: {  	p0 =	sne.s32 s11, $0x0;
	s9 =	simm.s32 $0x1;
	s6 =	smul.u32 s6, s8  }
.Ltmp0:
0xe: {  	s10 =	sshrl.u32 s10, $0x9;
	s9 =	simm.s32 @!p0 $0x0;
	(pc) =	sbr.rel .LBB1_1-.Ltmp0, $4  }
0xf: {  	s5 =	simm.s32 $0x1;
	s29 =	sadd.s32 s3, s7;
	s9 =	sadd.s32 s9, s10  }
0x10: {  	s7 =	sadd.s32 $0x132600, s7;
	[sflag:s5] =	ssyncpa.u1 $0x0;
	s6 =	smul.u32 s9, s6  }
0x11: {  	[sflag:s30] =	ssyncpa.u1 $0x0;
	s11 =	simm.s32 $0x1000;
	s8 =	sadd.s32 s31, s29  }
0x12: {  	s8 =	sadd.s32 $0x2600, s8;
	s10 =	simm.s32 $0x100;
	s9 =	sadd.s32 $0x1, s6  }
.LBB1_7:
0x13: {  	s18 =	sadd.s32 $0x2, s13  }
0x14: {  	p1 =	sgt.s32 s18, $0x25  }
0x15: {  	s18 =	smov.u32 @p1 s2;
	p1 =	sne.s32 s14, s9  }
.Ltmp1:
0x16: {  	p0 =	slt.u32 s14, $0x2;
	(pc) =	sbr.rel @!p1 .LBB1_8-.Ltmp1, $4  }
0x17: {  	s19 =	sadd.s32 $0x1, s14;
	s15 =	simm.s32 @!p0 $0x2  }
0x18: {  	s16 =	smov.u32 s13;
	s12 =	sadd.s32 $0x4000, s12;
	_ =	swait.ge @!p0 [sflag:s15], $0x4000  }
0x19: {  	s17 =	smov.u32 s4;
	s14 =	smov.u32 s19;
	[sflag:s15] =	ssyncset.done @!p0 $0x0  }
0x1a: {  	s13 =	smov.u32 s18;
	[sflag:s15] =	ssyncadd.s32 @!p0 $0xFFFFC000;
	s15 =	smov.u32 s3  }
.LBB1_1:
0x1b: {  	p0 =	sge.u32 s14, s6  }
0x1c: {  	s31 =	sadd.s32 $0xFFFFFFFF, s14;
	s18 =	sxor.u32 @!p0 $0xFFFFFFFF, s14  }
0x1d: {  	s19 =	sshll.u32 @!p0 s13, $0xF;
	s20 =	simm.s32 @!p0 $0x400;
	s18 =	sshll.u32 @!p0 s18, $0xE  }
0x1e: {  	s21 =	simm.s32 @!p0 $0x1000;
	s19 =	sadd.s32 @!p0 s19, s8;
	s18 =	sand.u32 @!p0 $0x4000, s18  }
0x1f: {  	[tilespmem:s18], [sflag:$0x1] =	stream.strided.gather @!p0 [hbm4b:s19+s20], $0x4000, s21, s20, $0x38;
	[tilespmem:$0x10000] =	vst v63  }
0x20: {  	p0 =	sge.u32 s31, s6  }
.Ltmp2:
0x21: {  	_ = 	snop;
	(pc) =	sbr.rel @p0 .LBB1_7-.Ltmp2, $1  }
0x22: {  	_ =	sdelay $0x3  }
0x23: {  	s18 =	sshll.u32 s12, $0x2  }
0x24: {  	_ =	swait.ge [sflag:s5], $0x4000;
	s19 =	sshll.u32 s14, $0xE;
	s21 =	simm.s32 $0x0  }
0x25: {  	p1 =	por $0x1, $0x1;
	s18 =	sand.u32 $0x10000, s18;
	[sflag:s5] =	ssyncset.done $0x0  }
0x26: {  	s19 =	sand.u32 $0x4000, s19;
	s20 =	sshrl.u32 s18, $0x2;
	[sflag:s5] =	ssyncadd.s32 $0xFFFFC000  }
0x27: {  	s18 =	sor.u32 $0x8000, s19;
	s19 =	sadd.s32 $0x8040, s20;
	s20 =	sadd.s32 $0x40, s20  }
.LBB1_3:
0x28: {  	s22 =	sshll.u32 s21, $0xD  }
0x29: {  	s22 =	sand.u32 $0x3FFFE000, s22  }
0x2a: {  	s22 =	sadd.s32 s22, s20  }
0x2b: {  	v0 =	vmov s22;
	_ =	sdelay $0x4  }
0x2c: {  	v6 =	vld.idx.msk [tilespmem:v0+s24+$0x30 ss:$0x1], $0xffff  }
0x2d: {  	v7 =	vld.idx.msk [tilespmem:v0+s24+$0xFFFFFFC0 ss:$0x1], $0xffff  }
0x2e: {  	v1 =	vld.idx.msk [tilespmem:v0+s24+$0xFFFFFFD0 ss:$0x1], $0xffff  }
0x2f: {  	s31 =	sshll.u32 s21, $0x7;
	v2 =	vld.idx.msk [tilespmem:v0+s24+$0xFFFFFFE0 ss:$0x1], $0xffff  }
0x30: {  	s21 =	sand.u32 $0x3FFFFF80, s31;
	v3 =	vld.idx.msk [tilespmem:v0+s24+$0xFFFFFFF0 ss:$0x1], $0xffff  }
0x31: {  	s21 =	sadd.s32 s21, s19;
	v4 =	vld.idx.msk [tilespmem:v0+s24+$0x0 ss:$0x1], $0xffff  }
0x32: {  	v5 =	vld.idx.msk [tilespmem:v0+s24+$0x10 ss:$0x1], $0xffff;
	[tilespmem:s21+$0x30] =	vst v6  }
0x33: {  	p0 =	por p1, p1;
	s23 =	simm.s32 $0x400;
	s22 =	simm.s32 $0x80;
	[tilespmem:s21+$0xFFFFFFC0] =	vst v7;
	v6 =	vld.idx.msk [tilespmem:v0+s24+$0x20 ss:$0x1], $0xffff  }
.LBB1_4:
0x34: {  	p1 =	sne.s32 s23, $0x7E00;
	v7 =	vld.idx.msk [tilespmem:v0+s22+$0x30 ss:$0x1], $0xffff;
	[tilespmem:s21+$0xFFFFFFD0] =	vst v1  }
0x35: {  	v8 =	vld.idx.msk [tilespmem:v0+s22+$0xFFFFFFC0 ss:$0x1], $0xffff;
	[tilespmem:s21+$0xFFFFFFE0] =	vst v2  }
0x36: {  	v1 =	vld.idx.msk [tilespmem:v0+s22+$0xFFFFFFD0 ss:$0x1], $0xffff;
	[tilespmem:s21+$0xFFFFFFF0] =	vst v3  }
.Ltmp3:
0x37: {  	v2 =	vld.idx.msk [tilespmem:v0+s22+$0xFFFFFFE0 ss:$0x1], $0xffff;
	[tilespmem:s21+$0x0] =	vst v4;
	(pc) =	sbr.rel @p1 .LBB1_4-.Ltmp3, $4  }
0x38: {  	v3 =	vld.idx.msk [tilespmem:v0+s22+$0xFFFFFFF0 ss:$0x1], $0xffff;
	[tilespmem:s21+$0x10] =	vst v5  }
0x39: {  	v4 =	vld.idx.msk [tilespmem:v0+s22+$0x0 ss:$0x1], $0xffff;
	[tilespmem:s21+$0x20] =	vst v6;
	s21 =	sadd.s32 $0x100, s21  }
0x3a: {  	v5 =	vld.idx.msk [tilespmem:v0+s22+$0x10 ss:$0x1], $0xffff;
	[tilespmem:s21+$0x30] =	vst v7  }
0x3b: {  	[tilespmem:s21+$0xFFFFFFC0] =	vst v8;
	v6 =	vld.idx.msk [tilespmem:v0+s22+$0x20 ss:$0x1], $0xffff;
	s22 =	sshra.s32 s23, $0x2;
	s23 =	sadd.s32 $0x200, s23  }
0x3c: {  	_ =	sdelay $0x2  }
0x3d: {  	[tilespmem:s21+$0xFFFFFFD0] =	vst v1  }
0x3e: {  	v56 =	vld.idx.msk [tilespmem:v0+s22+$0x30 ss:$0x1], $0xffff;
	[tilespmem:s21+$0xFFFFFFE0] =	vst v2  }
0x3f: {  	v57 =	vld.idx.msk [tilespmem:v0+s22+$0xFFFFFFC0 ss:$0x1], $0xffff;
	[tilespmem:s21+$0xFFFFFFF0] =	vst v3  }
0x40: {  	v58 =	vld.idx.msk [tilespmem:v0+s22+$0xFFFFFFD0 ss:$0x1], $0xffff;
	[tilespmem:s21+$0x0] =	vst v4  }
0x41: {  	v59 =	vld.idx.msk [tilespmem:v0+s22+$0xFFFFFFE0 ss:$0x1], $0xffff;
	[tilespmem:s21+$0x10] =	vst v5  }
0x42: {  	v60 =	vld.idx.msk [tilespmem:v0+s22+$0xFFFFFFF0 ss:$0x1], $0xffff;
	s31 =	sadd.s32 $0x100, s21;
	[tilespmem:s21+$0x20] =	vst v6  }
0x43: {  	v61 =	vld.idx.msk [tilespmem:v0+s22+$0x0 ss:$0x1], $0xffff;
	[tilespmem:s31+$0x30] =	vst v56  }
0x44: {  	v62 =	vld.idx.msk [tilespmem:v0+s22+$0x10 ss:$0x1], $0xffff;
	[tilespmem:s31+$0xFFFFFFC0] =	vst v57  }
0x45: {  	v63 =	vld.idx.msk [tilespmem:v0+s22+$0x20 ss:$0x1], $0xffff;
	[tilespmem:s31+$0xFFFFFFD0] =	vst v58  }
.Ltmp4:
0x46: {  	[tilespmem:s31+$0xFFFFFFE0] =	vst v59;
	(pc) =	sbr.rel @p0 .LBB1_3-.Ltmp4, $4  }
0x47: {  	[tilespmem:s31+$0xFFFFFFF0] =	vst v60  }
0x48: {  	[tilespmem:s31+$0x0] =	vst v61  }
0x49: {  	[tilespmem:s31+$0x10] =	vst v62  }
0x4a: {  	p1 =	por $0x0, $0x0;
	s21 =	simm.s32 $0x1;
	[tilespmem:s31+$0x20] =	vst v63  }
.Ltmp5:
0x4b: {  	s16 =	sshll.u32 s16, $0xF;
	(pc) =	sbr.rel .LBB1_7-.Ltmp5, $4  }
0x4c: {  	s17 =	sshll.u32 s17, $0x4;
	s16 =	sadd.s32 s7, s16  }
0x4d: {  	s16 =	sadd.s32 s17, s16  }
0x4e: {  	s15 =	sadd.s32 s15, s16  }
0x4f: {  	[hbm4b:s15+s10] =	stream.strided.scatter [tilespmem:s18], [sflag:$0x2], $0x4000, s11, s10, $0x38;
	[tilespmem:$0x10000] =	vst v63  }
.LBB1_8:
0x50: {  	_ =	sfence.sel $0x180000  }
0x51: {  	s2 =	simm.s32 $0x1;
	[bflag:$0x0] =	sbarrier.arrive $0xFFFF  }
0x52: {  	s31 =	simm.s32 $0x2;
	[sflag:s2] =	ssyncpa.u1 $0x1  }
0x53: {  	[sflag:s31] =	ssyncpa.u1 $0x1  }
0x54: {  	p0 =	sne.s32 s1, $0x0;
	_ =	strace $0x90000047  }
0x55: {  	s0 =	sadd.s32 @!p0 $0x100000, s0;
	[bflag:$0x2] =	sbarrier.arrive $0xFFFF  }
0x56: {  	[sflag:s0] =	ssyncadd.tile.s32 @!p0 $0x1;
	_ =	shalt  }
.Lfunc_end1:
_tile_overlayer_lowered:
.L_overlay_start_2:
0x57: {  	(tag) =	ssettag $0x2  }
0x58: {  	s0 =	rddreg [dreg:$0x0];
	s2 =	stileid.u32  }
0x59: {  	s1 =	rddreg [dreg:$0x1];
	p0 =	sne.s32 s2, $0x0  }
0x5a: {  	s3 =	rddreg [dreg:$0x2];
	[bflag:$0x3] =	sbarrier.arrive $0xFFFF;
	s2 =	simm.s32 @!p0 $0x1C01  }
0x5b: {  	[timem:s3], [sflag:s2] =	dma.local @!p0 [hbm:s0], s1  }
0x5c: {  	s0 =	simm.s32 @!p0 $0x1  }
0x5d: {  	_ =	swait.ge @!p0 [sflag:s0], s1  }
0x5e: {  	s1 =	ssub.s32 @!p0 $0x0, s1;
	[sflag:s0] =	ssyncset.done @!p0 $0x0  }
0x5f: {  	[sflag:s0] =	ssyncadd.s32 @!p0 s1  }
0x60: {  	[bflag:$0x3] =	sbarrier.arrive $0xFFFF  }
0x61: {  	_ =	shalt  }

</sc_bundles>
